<compile_context>
chip_gen: v7x
topology: tpu7x:2x2x1
jax: 0.10.2.dev20260603
libtpu: 0.0.44.dev20260713+nightly
codegen_flags: <defaults>
</compile_context>

<pallas_src>
import functools
import jax, jax.numpy as jnp
from jax import lax
from jax.experimental import pallas as pl
from jax.experimental.pallas import tpu as pltpu, tpu_sc as plsc

B, N, T, D = 64, 512, 2048, 128
B_SC = 32
ROWS_SC = B_SC * T
NW = 32
ROWS_W = ROWS_SC // NW
C = 128
NCH = ROWS_W // C

def _sc_gather(f0, f1, f2, zf, out, i0, i1, i2, r0, r1, r2, xb, sem):
    cid = lax.axis_index("c")
    sid = lax.axis_index("s")
    wid = sid * 2 + cid
    base0 = wid * ROWS_W

    def chunk(g, carry):
        base = base0 + g * C
        pltpu.sync_copy(f0.at[pl.ds(base, C)], i0)
        pltpu.sync_copy(f1.at[pl.ds(base, C)], i1)
        pltpu.sync_copy(f2.at[pl.ds(base, C)], i2)
        cp0 = pltpu.async_copy(zf.at[i0], r0, sem)
        cp1 = pltpu.async_copy(zf.at[i1], r1, sem)
        cp2 = pltpu.async_copy(zf.at[i2], r2, sem)
        cp0.wait()
        cp1.wait()
        cp2.wait()

        def row(c, cc):
            for l in range(8):
                sl = pl.ds(l * 16, 16)
                xb[c, sl] = r0[c, sl] + r1[c, sl] + r2[c, sl]
            return cc

        lax.fori_loop(0, C, row, 0)
        pltpu.sync_copy(xb, out.at[pl.ds(base, C)])
        return carry

    lax.fori_loop(0, NCH, chunk, 0)


def sc_gather(fidx0, fidx1, fidx2, z_flat):
    k = pl.kernel(
        _sc_gather,
        out_type=jax.ShapeDtypeStruct((ROWS_SC, D), jnp.float32),
        mesh=plsc.VectorSubcoreMesh(core_axis_name="c", subcore_axis_name="s"),
        scratch_types=[
            pltpu.VMEM((C,), jnp.int32),
            pltpu.VMEM((C,), jnp.int32),
            pltpu.VMEM((C,), jnp.int32),
            pltpu.VMEM((C, D), jnp.float32),
            pltpu.VMEM((C, D), jnp.float32),
            pltpu.VMEM((C, D), jnp.float32),
            pltpu.VMEM((C, D), jnp.float32),
            pltpu.SemaphoreType.DMA,
        ],
    )
    return k(fidx0, fidx1, fidx2, z_flat)



def kernel(z, angel_atom_table, W1, b1, gamma, beta, W2, b2):
    tbl = angel_atom_table.astype(jnp.int32)
    boff = (jnp.arange(B_SC, dtype=jnp.int32) * N).reshape(B_SC, 1)
    sub = tbl[B - B_SC:]
    f0 = (sub[:, :, 0] + boff + (B - B_SC) * N).reshape(ROWS_SC)
    f1 = (sub[:, :, 1] + boff + (B - B_SC) * N).reshape(ROWS_SC)
    f2 = (sub[:, :, 2] + boff + (B - B_SC) * N).reshape(ROWS_SC)
    zf = z.reshape(B * N, D)
    return sc_gather(f0, f1, f2, zf)

# --- scband reference (transcript-rebuilt; emitter-appended) ---
"""Pipeline reference for scband-atom-angle-projection-83416854823432 (READ-ONLY COPY).

The authoritative reference and input builder live on the scoring server;
editing this copy changes nothing except your own understanding.
"""

import jax, jax.numpy as jnp
import numpy as np

B, N, T = 64, 512, 2048
D_ATOM, D_HID, D_OUT = 128, 128, 128
EPS = 1e-5


def setup_inputs(seed: int = 0) -> dict:
    key = jax.random.key(seed)
    ks = jax.random.split(key, 8)
    z = jax.random.normal(ks[0], (B, N, D_ATOM), dtype=jnp.float32)
    angel_atom_table = jax.random.randint(ks[1], (B, T, 3), 0, N, dtype=jnp.int64)
    # Parameters of nn.Sequential(Linear(d_atom,d_hid), BatchNorm1d(d_hid), ReLU, Dropout, Linear(d_hid,d_out))
    lim1 = 1.0 / np.sqrt(D_ATOM)
    W1 = jax.random.uniform(ks[2], (D_HID, D_ATOM), minval=-lim1, maxval=lim1, dtype=jnp.float32)
    b1 = jax.random.uniform(ks[3], (D_HID,), minval=-lim1, maxval=lim1, dtype=jnp.float32)
    gamma = jnp.ones((D_HID,), dtype=jnp.float32)
    beta = jnp.zeros((D_HID,), dtype=jnp.float32)
    lim2 = 1.0 / np.sqrt(D_HID)
    W2 = jax.random.uniform(ks[4], (D_OUT, D_HID), minval=-lim2, maxval=lim2, dtype=jnp.float32)
    b2 = jax.random.uniform(ks[5], (D_OUT,), minval=-lim2, maxval=lim2, dtype=jnp.float32)
    return {"z": z, "angel_atom_table": angel_atom_table, "W1": W1, "b1": b1,
            "gamma": gamma, "beta": beta, "W2": W2, "b2": b2}


def reference(z, angel_atom_table, W1, b1, gamma, beta, W2, b2):
    valid_entries = angel_atom_table[:, :, 0] != -1
    indices_i, indices_j = jnp.nonzero(valid_entries, size=valid_entries.size)
    a0 = angel_atom_table[indices_i, indices_j, 0]
    a1 = angel_atom_table[indices_i, indices_j, 1]
    a2 = angel_atom_table[indices_i, indices_j, 2]
    # triple gather + sum (SparseCore gather)
    x = z[indices_i, a0] + z[indices_i, a1] + z[indices_i, a2]
    # Linear 1
    h = x @ W1.T + b1
    # BatchNorm1d (training-mode batch statistics, biased variance, eps=1e-5)
    mean = jnp.mean(h, axis=0)
    var = jnp.mean((h - mean) ** 2, axis=0)
    h = (h - mean) / jnp.sqrt(var + EPS) * gamma + beta
    # ReLU (Dropout is identity in deterministic/eval evaluation)
    h = jax.nn.relu(h)
    # Linear 2
    out = h @ W2.T + b2
    return out

if __name__ == "__main__":
    import jax
    _d = setup_inputs()
    print(jax.jit(kernel)(*tuple(_d.values())))

</pallas_src>

<mosaic_0001>
#map = affine_map<(d0, d1) -> (0)>
#map1 = affine_map<(d0, d1) -> (0, 0)>
module attributes {stable_mosaic.version = 14 : i64} {
  func.func @_sc_gather(%arg0: i32, %arg1: i32, %arg2: memref<65536xi32, #tpu.memory_space<hbm>>, %arg3: memref<65536xi32, #tpu.memory_space<hbm>>, %arg4: memref<65536xi32, #tpu.memory_space<hbm>>, %arg5: memref<32768x128xf32, #tpu.memory_space<hbm>>, %arg6: memref<65536x128xf32, #tpu.memory_space<hbm>>, %arg7: memref<128xi32, #tpu.memory_space<vmem>>, %arg8: memref<128xi32, #tpu.memory_space<vmem>>, %arg9: memref<128xi32, #tpu.memory_space<vmem>>, %arg10: memref<128x128xf32, #tpu.memory_space<vmem>>, %arg11: memref<128x128xf32, #tpu.memory_space<vmem>>, %arg12: memref<128x128xf32, #tpu.memory_space<vmem>>, %arg13: memref<128x128xf32, #tpu.memory_space<vmem>>, %arg14: memref<!tpu.dma_semaphore, #tpu.memory_space<semaphore_mem>>) attributes {dimension_semantics = [#tpu.dimension_semantics<core_parallel>, #tpu.dimension_semantics<subcore_parallel>], iteration_bounds = array<i64: 2, 16>, scalar_prefetch = 0 : i64, scratch_operands = 8 : i64, tpu.core_type = #tpu.core_type<sc_vector_subcore>, window_params = [{transform_indices = #map}, {transform_indices = #map}, {transform_indices = #map}, {transform_indices = #map1}, {transform_indices = #map1}]} {
    %mul3A = arith.constant 2 : i32
    %mul3A_0 = arith.muli %arg1, %mul3A : i32
    %add3A = arith.addi %mul3A_0, %arg0 : i32
    %mul3A_1 = arith.constant 2048 : i32
    %mul3A_2 = arith.muli %add3A, %mul3A_1 : i32
    %scan3A = arith.constant 0 : i32
    %scan3A_3 = arith.constant 0 : i32
    %scan3A_4 = arith.constant 16 : i32
    %scan3A_5 = arith.addi %scan3A_3, %scan3A_4 : i32
    %scan3A_6 = arith.constant 1 : i32
    scf.for %scan3A_8 = %scan3A_3 to %scan3A_5 step %scan3A_6  : i32 {
      %mul3A_9 = arith.constant 128 : i32
      %mul3A_10 = arith.muli %scan3A_8, %mul3A_9 : i32
      %add3A_11 = arith.addi %mul3A_2, %mul3A_10 : i32
      "tpu.region"() ({
        %run_scoped3A = tpu.sem_alloc : memref<!tpu.dma_semaphore, #tpu.memory_space<semaphore_mem>>
        %dma_start3A_34 = tpu.memref_slice %arg2[%add3A_11] : memref<65536xi32, #tpu.memory_space<hbm>> -> memref<128xi32, #tpu.memory_space<hbm>>
        %dma_start3A_35 = tpu.memref_slice %arg2[%add3A_11] : memref<65536xi32, #tpu.memory_space<hbm>> -> memref<128xi32, #tpu.memory_space<hbm>>
        tpu.enqueue_dma source(%dma_start3A_35 : memref<128xi32, #tpu.memory_space<hbm>>) target(%arg7 : memref<128xi32, #tpu.memory_space<vmem>>) target_semaphore(%run_scoped3A : memref<!tpu.dma_semaphore, #tpu.memory_space<semaphore_mem>>)
        %dma_wait3A_36 = tpu.memref_slice %arg2[%add3A_11] : memref<65536xi32, #tpu.memory_space<hbm>> -> memref<128xi32, #tpu.memory_space<hbm>>
        %dma_wait3A_37 = tpu.memref_slice %arg2[%add3A_11] : memref<65536xi32, #tpu.memory_space<hbm>> -> memref<128xi32, #tpu.memory_space<hbm>>
        tpu.wait_dma2 semaphore(%run_scoped3A : memref<!tpu.dma_semaphore, #tpu.memory_space<semaphore_mem>>) src(%dma_wait3A_37 : memref<128xi32, #tpu.memory_space<hbm>>) dst(%arg7 : memref<128xi32, #tpu.memory_space<vmem>>)
        tpu.yield
      }) : () -> ()
      "tpu.region"() ({
        %run_scoped3A = tpu.sem_alloc : memref<!tpu.dma_semaphore, #tpu.memory_space<semaphore_mem>>
        %dma_start3A_34 = tpu.memref_slice %arg3[%add3A_11] : memref<65536xi32, #tpu.memory_space<hbm>> -> memref<128xi32, #tpu.memory_space<hbm>>
        %dma_start3A_35 = tpu.memref_slice %arg3[%add3A_11] : memref<65536xi32, #tpu.memory_space<hbm>> -> memref<128xi32, #tpu.memory_space<hbm>>
        tpu.enqueue_dma source(%dma_start3A_35 : memref<128xi32, #tpu.memory_space<hbm>>) target(%arg8 : memref<128xi32, #tpu.memory_space<vmem>>) target_semaphore(%run_scoped3A : memref<!tpu.dma_semaphore, #tpu.memory_space<semaphore_mem>>)
        %dma_wait3A_36 = tpu.memref_slice %arg3[%add3A_11] : memref<65536xi32, #tpu.memory_space<hbm>> -> memref<128xi32, #tpu.memory_space<hbm>>
        %dma_wait3A_37 = tpu.memref_slice %arg3[%add3A_11] : memref<65536xi32, #tpu.memory_space<hbm>> -> memref<128xi32, #tpu.memory_space<hbm>>
        tpu.wait_dma2 semaphore(%run_scoped3A : memref<!tpu.dma_semaphore, #tpu.memory_space<semaphore_mem>>) src(%dma_wait3A_37 : memref<128xi32, #tpu.memory_space<hbm>>) dst(%arg8 : memref<128xi32, #tpu.memory_space<vmem>>)
        tpu.yield
      }) : () -> ()
      "tpu.region"() ({
        %run_scoped3A = tpu.sem_alloc : memref<!tpu.dma_semaphore, #tpu.memory_space<semaphore_mem>>
        %dma_start3A_34 = tpu.memref_slice %arg4[%add3A_11] : memref<65536xi32, #tpu.memory_space<hbm>> -> memref<128xi32, #tpu.memory_space<hbm>>
        %dma_start3A_35 = tpu.memref_slice %arg4[%add3A_11] : memref<65536xi32, #tpu.memory_space<hbm>> -> memref<128xi32, #tpu.memory_space<hbm>>
        tpu.enqueue_dma source(%dma_start3A_35 : memref<128xi32, #tpu.memory_space<hbm>>) target(%arg9 : memref<128xi32, #tpu.memory_space<vmem>>) target_semaphore(%run_scoped3A : memref<!tpu.dma_semaphore, #tpu.memory_space<semaphore_mem>>)
        %dma_wait3A_36 = tpu.memref_slice %arg4[%add3A_11] : memref<65536xi32, #tpu.memory_space<hbm>> -> memref<128xi32, #tpu.memory_space<hbm>>
        %dma_wait3A_37 = tpu.memref_slice %arg4[%add3A_11] : memref<65536xi32, #tpu.memory_space<hbm>> -> memref<128xi32, #tpu.memory_space<hbm>>
        tpu.wait_dma2 semaphore(%run_scoped3A : memref<!tpu.dma_semaphore, #tpu.memory_space<semaphore_mem>>) src(%dma_wait3A_37 : memref<128xi32, #tpu.memory_space<hbm>>) dst(%arg9 : memref<128xi32, #tpu.memory_space<vmem>>)
        tpu.yield
      }) : () -> ()
      %dma_start3A = arith.constant 0 : i32
      %dma_start3A_12 = arith.constant 0 : i32
      %dma_start3A_13 = tpu.memref_slice %arg5[%dma_start3A, %dma_start3A_12] : memref<32768x128xf32, #tpu.memory_space<hbm>> -> memref<32768x128xf32, #tpu.memory_space<hbm>>
      tpu.enqueue_indirect_dma source(%dma_start3A_13 : memref<32768x128xf32, #tpu.memory_space<hbm>>) target(%arg10 : memref<128x128xf32, #tpu.memory_space<vmem>>) offsets(%arg7 : memref<128xi32, #tpu.memory_space<vmem>>) semaphore(%arg14 : memref<!tpu.dma_semaphore, #tpu.memory_space<semaphore_mem>>)
      %dma_start3A_14 = arith.constant 0 : i32
      %dma_start3A_15 = arith.constant 0 : i32
      %dma_start3A_16 = tpu.memref_slice %arg5[%dma_start3A_14, %dma_start3A_15] : memref<32768x128xf32, #tpu.memory_space<hbm>> -> memref<32768x128xf32, #tpu.memory_space<hbm>>
      tpu.enqueue_indirect_dma source(%dma_start3A_16 : memref<32768x128xf32, #tpu.memory_space<hbm>>) target(%arg11 : memref<128x128xf32, #tpu.memory_space<vmem>>) offsets(%arg8 : memref<128xi32, #tpu.memory_space<vmem>>) semaphore(%arg14 : memref<!tpu.dma_semaphore, #tpu.memory_space<semaphore_mem>>)
      %dma_start3A_17 = arith.constant 0 : i32
      %dma_start3A_18 = arith.constant 0 : i32
      %dma_start3A_19 = tpu.memref_slice %arg5[%dma_start3A_17, %dma_start3A_18] : memref<32768x128xf32, #tpu.memory_space<hbm>> -> memref<32768x128xf32, #tpu.memory_space<hbm>>
      tpu.enqueue_indirect_dma source(%dma_start3A_19 : memref<32768x128xf32, #tpu.memory_space<hbm>>) target(%arg12 : memref<128x128xf32, #tpu.memory_space<vmem>>) offsets(%arg9 : memref<128xi32, #tpu.memory_space<vmem>>) semaphore(%arg14 : memref<!tpu.dma_semaphore, #tpu.memory_space<semaphore_mem>>)
      %dma_wait3A = arith.constant 0 : i32
      %dma_wait3A_20 = arith.constant 0 : i32
      %dma_wait3A_21 = tpu.memref_slice %arg5[%dma_wait3A, %dma_wait3A_20] : memref<32768x128xf32, #tpu.memory_space<hbm>> -> memref<32768x128xf32, #tpu.memory_space<hbm>>
      tpu.wait_indirect_dma semaphore(%arg14 : memref<!tpu.dma_semaphore, #tpu.memory_space<semaphore_mem>>) src(%dma_wait3A_21 : memref<32768x128xf32, #tpu.memory_space<hbm>>) dst(%arg10 : memref<128x128xf32, #tpu.memory_space<vmem>>)
      %dma_wait3A_22 = arith.constant 0 : i32
      %dma_wait3A_23 = arith.constant 0 : i32
      %dma_wait3A_24 = tpu.memref_slice %arg5[%dma_wait3A_22, %dma_wait3A_23] : memref<32768x128xf32, #tpu.memory_space<hbm>> -> memref<32768x128xf32, #tpu.memory_space<hbm>>
      tpu.wait_indirect_dma semaphore(%arg14 : memref<!tpu.dma_semaphore, #tpu.memory_space<semaphore_mem>>) src(%dma_wait3A_24 : memref<32768x128xf32, #tpu.memory_space<hbm>>) dst(%arg11 : memref<128x128xf32, #tpu.memory_space<vmem>>)
      %dma_wait3A_25 = arith.constant 0 : i32
      %dma_wait3A_26 = arith.constant 0 : i32
      %dma_wait3A_27 = tpu.memref_slice %arg5[%dma_wait3A_25, %dma_wait3A_26] : memref<32768x128xf32, #tpu.memory_space<hbm>> -> memref<32768x128xf32, #tpu.memory_space<hbm>>
      tpu.wait_indirect_dma semaphore(%arg14 : memref<!tpu.dma_semaphore, #tpu.memory_space<semaphore_mem>>) src(%dma_wait3A_27 : memref<32768x128xf32, #tpu.memory_space<hbm>>) dst(%arg12 : memref<128x128xf32, #tpu.memory_space<vmem>>)
      %scan3A_28 = arith.constant 0 : i32
      %scan3A_29 = arith.constant 0 : i32
      %scan3A_30 = arith.constant 128 : i32
      %scan3A_31 = arith.addi %scan3A_29, %scan3A_30 : i32
      %scan3A_32 = arith.constant 1 : i32
      scf.for %scan3A_34 = %scan3A_29 to %scan3A_31 step %scan3A_32  : i32 {
        %get3A = arith.index_cast %scan3A_34 : i32 to index
        %get3A_35 = arith.constant 0 : index
        %get3A_36 = tpu.vector_load %arg10[%get3A, %get3A_35] {strides = array<i32>} : memref<128x128xf32, #tpu.memory_space<vmem>>, vector<1x16xf32>,
        %get3A_37 = vector.shape_cast %get3A_36 : vector<1x16xf32> to vector<16xf32>
        %get3A_38 = arith.index_cast %scan3A_34 : i32 to index
        %get3A_39 = arith.constant 0 : index
        %get3A_40 = tpu.vector_load %arg11[%get3A_38, %get3A_39] {strides = array<i32>} : memref<128x128xf32, #tpu.memory_space<vmem>>, vector<1x16xf32>,
        %get3A_41 = vector.shape_cast %get3A_40 : vector<1x16xf32> to vector<16xf32>
        %add3A_42 = arith.addf %get3A_37, %get3A_41 : vector<16xf32>
        %get3A_43 = arith.index_cast %scan3A_34 : i32 to index
        %get3A_44 = arith.constant 0 : index
        %get3A_45 = tpu.vector_load %arg12[%get3A_43, %get3A_44] {strides = array<i32>} : memref<128x128xf32, #tpu.memory_space<vmem>>, vector<1x16xf32>,
        %get3A_46 = vector.shape_cast %get3A_45 : vector<1x16xf32> to vector<16xf32>
        %add3A_47 = arith.addf %add3A_42, %get3A_46 : vector<16xf32>
        %swap3A = arith.index_cast %scan3A_34 : i32 to index
        %swap3A_48 = arith.constant 0 : index
        %swap3A_49 = tpu.vector_load %arg13[%swap3A, %swap3A_48] {strides = array<i32>} : memref<128x128xf32, #tpu.memory_space<vmem>>, vector<1x16xf32>,
        %swap3A_50 = vector.shape_cast %swap3A_49 : vector<1x16xf32> to vector<16xf32>
        %swap3A_51 = vector.shape_cast %add3A_47 : vector<16xf32> to vector<1x16xf32>
        tpu.vector_store %arg13[%swap3A, %swap3A_48], %swap3A_51 {strides = array<i32>} : memref<128x128xf32, #tpu.memory_space<vmem>>, vector<1x16xf32>,
        %get3A_52 = arith.index_cast %scan3A_34 : i32 to index
        %get3A_53 = arith.constant 16 : index
        %get3A_54 = tpu.vector_load %arg10[%get3A_52, %get3A_53] {strides = array<i32>} : memref<128x128xf32, #tpu.memory_space<vmem>>, vector<1x16xf32>,
        %get3A_55 = vector.shape_cast %get3A_54 : vector<1x16xf32> to vector<16xf32>
        %get3A_56 = arith.index_cast %scan3A_34 : i32 to index
        %get3A_57 = arith.constant 16 : index
        %get3A_58 = tpu.vector_load %arg11[%get3A_56, %get3A_57] {strides = array<i32>} : memref<128x128xf32, #tpu.memory_space<vmem>>, vector<1x16xf32>,
        %get3A_59 = vector.shape_cast %get3A_58 : vector<1x16xf32> to vector<16xf32>
        %add3A_60 = arith.addf %get3A_55, %get3A_59 : vector<16xf32>
        %get3A_61 = arith.index_cast %scan3A_34 : i32 to index
        %get3A_62 = arith.constant 16 : index
        %get3A_63 = tpu.vector_load %arg12[%get3A_61, %get3A_62] {strides = array<i32>} : memref<128x128xf32, #tpu.memory_space<vmem>>, vector<1x16xf32>,
        %get3A_64 = vector.shape_cast %get3A_63 : vector<1x16xf32> to vector<16xf32>
        %add3A_65 = arith.addf %add3A_60, %get3A_64 : vector<16xf32>
        %swap3A_66 = arith.index_cast %scan3A_34 : i32 to index
        %swap3A_67 = arith.constant 16 : index
        %swap3A_68 = tpu.vector_load %arg13[%swap3A_66, %swap3A_67] {strides = array<i32>} : memref<128x128xf32, #tpu.memory_space<vmem>>, vector<1x16xf32>,
        %swap3A_69 = vector.shape_cast %swap3A_68 : vector<1x16xf32> to vector<16xf32>
        %swap3A_70 = vector.shape_cast %add3A_65 : vector<16xf32> to vector<1x16xf32>
        tpu.vector_store %arg13[%swap3A_66, %swap3A_67], %swap3A_70 {strides = array<i32>} : memref<128x128xf32, #tpu.memory_space<vmem>>, vector<1x16xf32>,
        %get3A_71 = arith.index_cast %scan3A_34 : i32 to index
        %get3A_72 = arith.constant 32 : index
        %get3A_73 = tpu.vector_load %arg10[%get3A_71, %get3A_72] {strides = array<i32>} : memref<128x128xf32, #tpu.memory_space<vmem>>, vector<1x16xf32>,
        %get3A_74 = vector.shape_cast %get3A_73 : vector<1x16xf32> to vector<16xf32>
        %get3A_75 = arith.index_cast %scan3A_34 : i32 to index
        %get3A_76 = arith.constant 32 : index
        %get3A_77 = tpu.vector_load %arg11[%get3A_75, %get3A_76] {strides = array<i32>} : memref<128x128xf32, #tpu.memory_space<vmem>>, vector<1x16xf32>,
        %get3A_78 = vector.shape_cast %get3A_77 : vector<1x16xf32> to vector<16xf32>
        %add3A_79 = arith.addf %get3A_74, %get3A_78 : vector<16xf32>
        %get3A_80 = arith.index_cast %scan3A_34 : i32 to index
        %get3A_81 = arith.constant 32 : index
        %get3A_82 = tpu.vector_load %arg12[%get3A_80, %get3A_81] {strides = array<i32>} : memref<128x128xf32, #tpu.memory_space<vmem>>, vector<1x16xf32>,
        %get3A_83 = vector.shape_cast %get3A_82 : vector<1x16xf32> to vector<16xf32>
        %add3A_84 = arith.addf %add3A_79, %get3A_83 : vector<16xf32>
        %swap3A_85 = arith.index_cast %scan3A_34 : i32 to index
        %swap3A_86 = arith.constant 32 : index
        %swap3A_87 = tpu.vector_load %arg13[%swap3A_85, %swap3A_86] {strides = array<i32>} : memref<128x128xf32, #tpu.memory_space<vmem>>, vector<1x16xf32>,
        %swap3A_88 = vector.shape_cast %swap3A_87 : vector<1x16xf32> to vector<16xf32>
        %swap3A_89 = vector.shape_cast %add3A_84 : vector<16xf32> to vector<1x16xf32>
        tpu.vector_store %arg13[%swap3A_85, %swap3A_86], %swap3A_89 {strides = array<i32>} : memref<128x128xf32, #tpu.memory_space<vmem>>, vector<1x16xf32>,
        %get3A_90 = arith.index_cast %scan3A_34 : i32 to index
        %get3A_91 = arith.constant 48 : index
        %get3A_92 = tpu.vector_load %arg10[%get3A_90, %get3A_91] {strides = array<i32>} : memref<128x128xf32, #tpu.memory_space<vmem>>, vector<1x16xf32>,
        %get3A_93 = vector.shape_cast %get3A_92 : vector<1x16xf32> to vector<16xf32>
        %get3A_94 = arith.index_cast %scan3A_34 : i32 to index
        %get3A_95 = arith.constant 48 : index
        %get3A_96 = tpu.vector_load %arg11[%get3A_94, %get3A_95] {strides = array<i32>} : memref<128x128xf32, #tpu.memory_space<vmem>>, vector<1x16xf32>,
        %get3A_97 = vector.shape_cast %get3A_96 : vector<1x16xf32> to vector<16xf32>
        %add3A_98 = arith.addf %get3A_93, %get3A_97 : vector<16xf32>
        %get3A_99 = arith.index_cast %scan3A_34 : i32 to index
        %get3A_100 = arith.constant 48 : index
        %get3A_101 = tpu.vector_load %arg12[%get3A_99, %get3A_100] {strides = array<i32>} : memref<128x128xf32, #tpu.memory_space<vmem>>, vector<1x16xf32>,
        %get3A_102 = vector.shape_cast %get3A_101 : vector<1x16xf32> to vector<16xf32>
        %add3A_103 = arith.addf %add3A_98, %get3A_102 : vector<16xf32>
        %swap3A_104 = arith.index_cast %scan3A_34 : i32 to index
        %swap3A_105 = arith.constant 48 : index
        %swap3A_106 = tpu.vector_load %arg13[%swap3A_104, %swap3A_105] {strides = array<i32>} : memref<128x128xf32, #tpu.memory_space<vmem>>, vector<1x16xf32>,
        %swap3A_107 = vector.shape_cast %swap3A_106 : vector<1x16xf32> to vector<16xf32>
        %swap3A_108 = vector.shape_cast %add3A_103 : vector<16xf32> to vector<1x16xf32>
        tpu.vector_store %arg13[%swap3A_104, %swap3A_105], %swap3A_108 {strides = array<i32>} : memref<128x128xf32, #tpu.memory_space<vmem>>, vector<1x16xf32>,
        %get3A_109 = arith.index_cast %scan3A_34 : i32 to index
        %get3A_110 = arith.constant 64 : index
        %get3A_111 = tpu.vector_load %arg10[%get3A_109, %get3A_110] {strides = array<i32>} : memref<128x128xf32, #tpu.memory_space<vmem>>, vector<1x16xf32>,
        %get3A_112 = vector.shape_cast %get3A_111 : vector<1x16xf32> to vector<16xf32>
        %get3A_113 = arith.index_cast %scan3A_34 : i32 to index
        %get3A_114 = arith.constant 64 : index
        %get3A_115 = tpu.vector_load %arg11[%get3A_113, %get3A_114] {strides = array<i32>} : memref<128x128xf32, #tpu.memory_space<vmem>>, vector<1x16xf32>,
        %get3A_116 = vector.shape_cast %get3A_115 : vector<1x16xf32> to vector<16xf32>
        %add3A_117 = arith.addf %get3A_112, %get3A_116 : vector<16xf32>
        %get3A_118 = arith.index_cast %scan3A_34 : i32 to index
        %get3A_119 = arith.constant 64 : index
        %get3A_120 = tpu.vector_load %arg12[%get3A_118, %get3A_119] {strides = array<i32>} : memref<128x128xf32, #tpu.memory_space<vmem>>, vector<1x16xf32>,
        %get3A_121 = vector.shape_cast %get3A_120 : vector<1x16xf32> to vector<16xf32>
        %add3A_122 = arith.addf %add3A_117, %get3A_121 : vector<16xf32>
        %swap3A_123 = arith.index_cast %scan3A_34 : i32 to index
        %swap3A_124 = arith.constant 64 : index
        %swap3A_125 = tpu.vector_load %arg13[%swap3A_123, %swap3A_124] {strides = array<i32>} : memref<128x128xf32, #tpu.memory_space<vmem>>, vector<1x16xf32>,
        %swap3A_126 = vector.shape_cast %swap3A_125 : vector<1x16xf32> to vector<16xf32>
        %swap3A_127 = vector.shape_cast %add3A_122 : vector<16xf32> to vector<1x16xf32>
        tpu.vector_store %arg13[%swap3A_123, %swap3A_124], %swap3A_127 {strides = array<i32>} : memref<128x128xf32, #tpu.memory_space<vmem>>, vector<1x16xf32>,
        %get3A_128 = arith.index_cast %scan3A_34 : i32 to index
        %get3A_129 = arith.constant 80 : index
        %get3A_130 = tpu.vector_load %arg10[%get3A_128, %get3A_129] {strides = array<i32>} : memref<128x128xf32, #tpu.memory_space<vmem>>, vector<1x16xf32>,
        %get3A_131 = vector.shape_cast %get3A_130 : vector<1x16xf32> to vector<16xf32>
        %get3A_132 = arith.index_cast %scan3A_34 : i32 to index
        %get3A_133 = arith.constant 80 : index
        %get3A_134 = tpu.vector_load %arg11[%get3A_132, %get3A_133] {strides = array<i32>} : memref<128x128xf32, #tpu.memory_space<vmem>>, vector<1x16xf32>,
        %get3A_135 = vector.shape_cast %get3A_134 : vector<1x16xf32> to vector<16xf32>
        %add3A_136 = arith.addf %get3A_131, %get3A_135 : vector<16xf32>
        %get3A_137 = arith.index_cast %scan3A_34 : i32 to index
        %get3A_138 = arith.constant 80 : index
        %get3A_139 = tpu.vector_load %arg12[%get3A_137, %get3A_138] {strides = array<i32>} : memref<128x128xf32, #tpu.memory_space<vmem>>, vector<1x16xf32>,
        %get3A_140 = vector.shape_cast %get3A_139 : vector<1x16xf32> to vector<16xf32>
        %add3A_141 = arith.addf %add3A_136, %get3A_140 : vector<16xf32>
        %swap3A_142 = arith.index_cast %scan3A_34 : i32 to index
        %swap3A_143 = arith.constant 80 : index
        %swap3A_144 = tpu.vector_load %arg13[%swap3A_142, %swap3A_143] {strides = array<i32>} : memref<128x128xf32, #tpu.memory_space<vmem>>, vector<1x16xf32>,
        %swap3A_145 = vector.shape_cast %swap3A_144 : vector<1x16xf32> to vector<16xf32>
        %swap3A_146 = vector.shape_cast %add3A_141 : vector<16xf32> to vector<1x16xf32>
        tpu.vector_store %arg13[%swap3A_142, %swap3A_143], %swap3A_146 {strides = array<i32>} : memref<128x128xf32, #tpu.memory_space<vmem>>, vector<1x16xf32>,
        %get3A_147 = arith.index_cast %scan3A_34 : i32 to index
        %get3A_148 = arith.constant 96 : index
        %get3A_149 = tpu.vector_load %arg10[%get3A_147, %get3A_148] {strides = array<i32>} : memref<128x128xf32, #tpu.memory_space<vmem>>, vector<1x16xf32>,
        %get3A_150 = vector.shape_cast %get3A_149 : vector<1x16xf32> to vector<16xf32>
        %get3A_151 = arith.index_cast %scan3A_34 : i32 to index
        %get3A_152 = arith.constant 96 : index
        %get3A_153 = tpu.vector_load %arg11[%get3A_151, %get3A_152] {strides = array<i32>} : memref<128x128xf32, #tpu.memory_space<vmem>>, vector<1x16xf32>,
        %get3A_154 = vector.shape_cast %get3A_153 : vector<1x16xf32> to vector<16xf32>
        %add3A_155 = arith.addf %get3A_150, %get3A_154 : vector<16xf32>
        %get3A_156 = arith.index_cast %scan3A_34 : i32 to index
        %get3A_157 = arith.constant 96 : index
        %get3A_158 = tpu.vector_load %arg12[%get3A_156, %get3A_157] {strides = array<i32>} : memref<128x128xf32, #tpu.memory_space<vmem>>, vector<1x16xf32>,
        %get3A_159 = vector.shape_cast %get3A_158 : vector<1x16xf32> to vector<16xf32>
        %add3A_160 = arith.addf %add3A_155, %get3A_159 : vector<16xf32>
        %swap3A_161 = arith.index_cast %scan3A_34 : i32 to index
        %swap3A_162 = arith.constant 96 : index
        %swap3A_163 = tpu.vector_load %arg13[%swap3A_161, %swap3A_162] {strides = array<i32>} : memref<128x128xf32, #tpu.memory_space<vmem>>, vector<1x16xf32>,
        %swap3A_164 = vector.shape_cast %swap3A_163 : vector<1x16xf32> to vector<16xf32>
        %swap3A_165 = vector.shape_cast %add3A_160 : vector<16xf32> to vector<1x16xf32>
        tpu.vector_store %arg13[%swap3A_161, %swap3A_162], %swap3A_165 {strides = array<i32>} : memref<128x128xf32, #tpu.memory_space<vmem>>, vector<1x16xf32>,
        %get3A_166 = arith.index_cast %scan3A_34 : i32 to index
        %get3A_167 = arith.constant 112 : index
        %get3A_168 = tpu.vector_load %arg10[%get3A_166, %get3A_167] {strides = array<i32>} : memref<128x128xf32, #tpu.memory_space<vmem>>, vector<1x16xf32>,
        %get3A_169 = vector.shape_cast %get3A_168 : vector<1x16xf32> to vector<16xf32>
        %get3A_170 = arith.index_cast %scan3A_34 : i32 to index
        %get3A_171 = arith.constant 112 : index
        %get3A_172 = tpu.vector_load %arg11[%get3A_170, %get3A_171] {strides = array<i32>} : memref<128x128xf32, #tpu.memory_space<vmem>>, vector<1x16xf32>,
        %get3A_173 = vector.shape_cast %get3A_172 : vector<1x16xf32> to vector<16xf32>
        %add3A_174 = arith.addf %get3A_169, %get3A_173 : vector<16xf32>
        %get3A_175 = arith.index_cast %scan3A_34 : i32 to index
        %get3A_176 = arith.constant 112 : index
        %get3A_177 = tpu.vector_load %arg12[%get3A_175, %get3A_176] {strides = array<i32>} : memref<128x128xf32, #tpu.memory_space<vmem>>, vector<1x16xf32>,
        %get3A_178 = vector.shape_cast %get3A_177 : vector<1x16xf32> to vector<16xf32>
        %add3A_179 = arith.addf %add3A_174, %get3A_178 : vector<16xf32>
        %swap3A_180 = arith.index_cast %scan3A_34 : i32 to index
        %swap3A_181 = arith.constant 112 : index
        %swap3A_182 = tpu.vector_load %arg13[%swap3A_180, %swap3A_181] {strides = array<i32>} : memref<128x128xf32, #tpu.memory_space<vmem>>, vector<1x16xf32>,
        %swap3A_183 = vector.shape_cast %swap3A_182 : vector<1x16xf32> to vector<16xf32>
        %swap3A_184 = vector.shape_cast %add3A_179 : vector<16xf32> to vector<1x16xf32>
        tpu.vector_store %arg13[%swap3A_180, %swap3A_181], %swap3A_184 {strides = array<i32>} : memref<128x128xf32, #tpu.memory_space<vmem>>, vector<1x16xf32>,
      }
      %scan3A_33 = arith.constant 128 : i32
      "tpu.region"() ({
        %run_scoped3A = tpu.sem_alloc : memref<!tpu.dma_semaphore, #tpu.memory_space<semaphore_mem>>
        %dma_start3A_34 = arith.constant 0 : i32
        %dma_start3A_35 = tpu.memref_slice %arg6[%add3A_11, %dma_start3A_34] : memref<65536x128xf32, #tpu.memory_space<hbm>> -> memref<128x128xf32, #tpu.memory_space<hbm>>
        %dma_start3A_36 = arith.constant 0 : i32
        %dma_start3A_37 = tpu.memref_slice %arg6[%add3A_11, %dma_start3A_36] : memref<65536x128xf32, #tpu.memory_space<hbm>> -> memref<128x128xf32, #tpu.memory_space<hbm>>
        tpu.enqueue_dma source(%arg13 : memref<128x128xf32, #tpu.memory_space<vmem>>) target(%dma_start3A_37 : memref<128x128xf32, #tpu.memory_space<hbm>>) target_semaphore(%run_scoped3A : memref<!tpu.dma_semaphore, #tpu.memory_space<semaphore_mem>>)
        %dma_wait3A_38 = arith.constant 0 : i32
        %dma_wait3A_39 = tpu.memref_slice %arg6[%add3A_11, %dma_wait3A_38] : memref<65536x128xf32, #tpu.memory_space<hbm>> -> memref<128x128xf32, #tpu.memory_space<hbm>>
        %dma_wait3A_40 = arith.constant 0 : i32
        %dma_wait3A_41 = tpu.memref_slice %arg6[%add3A_11, %dma_wait3A_40] : memref<65536x128xf32, #tpu.memory_space<hbm>> -> memref<128x128xf32, #tpu.memory_space<hbm>>
        tpu.wait_dma2 semaphore(%run_scoped3A : memref<!tpu.dma_semaphore, #tpu.memory_space<semaphore_mem>>) src(%arg13 : memref<128x128xf32, #tpu.memory_space<vmem>>) dst(%dma_wait3A_41 : memref<128x128xf32, #tpu.memory_space<hbm>>)
        tpu.yield
      }) : () -> ()
    }
    %scan3A_7 = arith.constant 16 : i32
    return
  }
}

</mosaic_0001>

<sc_bundles>
// kernel: kernel.3.cloned.1.call-start
scs
__scs_entry_jumppad:
0x0: {  	(pc) =	sbr.rel $0x88, $3  }
0x1: {  	(tag) =	ssettag $0x0;
	lr =	simm.s32 $0x1  }
0x2: {  	[smem:$0x3F9F] =	sst lr;
	_ =	strace $0xD0000000  }
0x3: {  	_ = 	snop  }
0x4: {  	_ = 	snop  }
0x5: {  	_ = 	snop  }
0x6: {  	_ = 	snop  }
0x7: {  	_ = 	snop  }
__scs_overlays_trampoline_lowered:
0x8: {  	[smem:$0x3FAE] =	sst s0  }
0x9: {  	[smem:$0x3FAF] =	sst s1  }
0xa: {  	[smem:$0x3FB0] =	sst s2  }
0xb: {  	[smem:$0x3FB1] =	sst s3  }
0xc: {  	[smem:$0x3FB2] =	sst s4  }
0xd: {  	[smem:$0x3FB3] =	sst s5  }
0xe: {  	[smem:$0x3FB4] =	sst s6  }
0xf: {  	[smem:$0x3FB5] =	sst s7  }
0x10: {  	[smem:$0x3FB6] =	sst s8  }
0x11: {  	[smem:$0x3FB7] =	sst s9;
	s0 =	simm.s32 @!p0 $0x0  }
0x12: {  	s1 =	sld [smem:$0x3F9D];
	s0 =	simm.s32 @p0 $0x1  }
0x13: {  	[smem:$0x3FB8] =	sst s0;
	s0 =	simm.s32 @!p1 $0x0  }
0x14: {  	s2 =	sld [smem:$0x3F9C];
	s0 =	simm.s32 @p1 $0x1  }
0x15: {  	[smem:$0x3FB9] =	sst s0;
	s0 =	simm.s32 @!p2 $0x0  }
0x16: {  	s3 =	sld [smem:$0x3FDB];
	s0 =	simm.s32 @p2 $0x1  }
0x17: {  	s4 =	simm.s32 $0x1BF5;
	[smem:$0x3FBB] =	sst s0  }
0x18: {  	s0 =	sld [smem:$0x3F9E];
	_ =	swait.ge [sflag:s4], $0x0  }
0x19: {  	s7 =	sld [smem:$0x3F9F]  }
0x1a: {  	s8 =	sadd.s32 $0xFFFFE003, lr  }
0x1b: {  	s9 =	sadd.s32 $0xFFFFFEF7, lr;
	s5 =	simm.s32 $0xFFFFFFFF;
	p2 =	slt.u32 s8, $0xFFFFF086  }
0x1c: {  	p1 =	slt.u32 s9, $0xF7A;
	s5 =	simm.s32 @!p2 $0x0  }
0x1d: {  	s5 =	simm.s32 @p1 $0x1;
	p0 =	seq.s32 s7, s2  }
0x1e: {  	s7 =	smul.u32 @!p0 $0xF7A, s2;
	p2 =	seq.s32 @!p0 s5, $0x0  }
0x1f: {  	s9 =	smul.u32 $0xF7A, s1;
	s8 =	simm.s32 @!p0 $0x1BF5;
	p2 =	por !p2, p0  }
0x20: {  	[sflag:s8] =	ssyncset.s32 @!p0 $0xFFFFF086;
	s6 =	sadd.s32 @!p0 s3, s7;
	s7 =	simm.s32 @!p0 $0x108  }
0x21: {  	s3 =	sadd.s32 s3, s9;
	s6 =	sadd.s32 @!p0 $0x88, s6;
	s7 =	simm.s32 @p2 $0x1082  }
0x22: {  	[simem:s7], [sflag:s8] =	dma.local @!p0 [hbm:s6], $0xF7A  }
0x23: {  	s9 =	sor.u32 $0xD0000000, s2;
	s6 =	simm.s32 $0x108;
	_ =	swait.ge @!p0 [sflag:s8], $0x0  }
0x24: {  	s3 =	sadd.s32 $0x88, s3;
	s6 =	simm.s32 @!p1 $0x1082;
	[sflag:s4] =	ssyncset.s32 $0xFFFFF086  }
0x25: {  	[simem:s6], [sflag:s4] =	dma.local [hbm:s3], $0xF7A  }
0x26: {  	[smem:$0x3F9F] =	sst s1;
	(tag) =	ssettag s2;
	_ =	strace s9  }
0x27: {  	s1 =	sld [smem:$0x3FAF]  }
0x28: {  	s2 =	sld [smem:$0x3FB0]  }
0x29: {  	s4 =	sld [smem:$0x3FB2]  }
0x2a: {  	p0 =	seq.s32 s5, $0x0;
	s5 =	sld [smem:$0x3FB3]  }
0x2b: {  	s6 =	sld [smem:$0x3FB4]  }
0x2c: {  	s7 =	sld [smem:$0x3FB5]  }
0x2d: {  	s3 =	simm.s32 $0x108;
	s8 =	sld [smem:$0x3FB6]  }
0x2e: {  	s3 =	simm.s32 @!p0 $0x1082;
	s9 =	sld [smem:$0x3FB7]  }
0x2f: {  	lr =	sadd.s32 s0, s3;
	s0 =	sld [smem:$0x3FAE]  }
0x30: {  	s3 =	sld [smem:$0x3FB1]  }
0x31: {  	[smem:$0x3FBA] =	sst s10  }
0x32: {  	s10 =	sld [smem:$0x3FB8];
	_ =	sdelay $0x3  }
0x33: {  	p0 =	seq.s32 s10, $0x1;
	s10 =	sld [smem:$0x3FBA];
	_ =	sdelay $0x3  }
0x34: {  	[smem:$0x3FBA] =	sst s10  }
0x35: {  	s10 =	sld [smem:$0x3FB9];
	_ =	sdelay $0x3  }
0x36: {  	p1 =	seq.s32 s10, $0x1;
	s10 =	sld [smem:$0x3FBA];
	_ =	sdelay $0x3  }
0x37: {  	[smem:$0x3FBA] =	sst s10  }
0x38: {  	s10 =	sld [smem:$0x3FBB]  }
0x39: {  	_ = 	snop;
	(pc) =	sbr.ind lr, $3  }
0x3a: {  	_ = 	snop  }
0x3b: {  	_ = 	snop  }
0x3c: {  	p2 =	seq.s32 s10, $0x1;
	s10 =	sld [smem:$0x3FBA]  }
0x3d: {  	_ =	shalt  }
0x3e: {  	_ =	shalt  }
0x3f: {  	_ =	shalt  }
0x40: {  	_ =	shalt  }
0x41: {  	_ =	shalt  }
0x42: {  	_ =	shalt  }
0x43: {  	_ =	shalt  }
0x44: {  	_ =	shalt  }
0x45: {  	_ =	shalt  }
0x46: {  	_ =	shalt  }
0x47: {  	_ =	shalt  }
0x48: {  	_ =	shalt  }
0x49: {  	_ =	shalt  }
0x4a: {  	_ =	shalt  }
0x4b: {  	_ =	shalt  }
0x4c: {  	_ =	shalt  }
0x4d: {  	_ =	shalt  }
0x4e: {  	_ =	shalt  }
0x4f: {  	_ =	shalt  }
0x50: {  	_ =	shalt  }
0x51: {  	_ =	shalt  }
0x52: {  	_ =	shalt  }
0x53: {  	_ =	shalt  }
0x54: {  	_ =	shalt  }
0x55: {  	_ =	shalt  }
0x56: {  	_ =	shalt  }
0x57: {  	_ =	shalt  }
0x58: {  	_ =	shalt  }
0x59: {  	_ =	shalt  }
0x5a: {  	_ =	shalt  }
0x5b: {  	_ =	shalt  }
0x5c: {  	_ =	shalt  }
0x5d: {  	_ =	shalt  }
0x5e: {  	_ =	shalt  }
0x5f: {  	_ =	shalt  }
0x60: {  	_ =	shalt  }
0x61: {  	_ =	shalt  }
0x62: {  	_ =	shalt  }
0x63: {  	_ =	shalt  }
0x64: {  	_ =	shalt  }
0x65: {  	_ =	shalt  }
0x66: {  	_ =	shalt  }
0x67: {  	_ =	shalt  }
0x68: {  	_ =	shalt  }
0x69: {  	_ =	shalt  }
0x6a: {  	_ =	shalt  }
0x6b: {  	_ =	shalt  }
0x6c: {  	_ =	shalt  }
0x6d: {  	_ =	shalt  }
0x6e: {  	_ =	shalt  }
0x6f: {  	_ =	shalt  }
0x70: {  	_ =	shalt  }
0x71: {  	_ =	shalt  }
0x72: {  	_ =	shalt  }
0x73: {  	_ =	shalt  }
0x74: {  	_ =	shalt  }
0x75: {  	_ =	shalt  }
0x76: {  	_ =	shalt  }
0x77: {  	_ =	shalt  }
0x78: {  	_ =	shalt  }
0x79: {  	_ =	shalt  }
0x7a: {  	_ =	shalt  }
0x7b: {  	_ =	shalt  }
0x7c: {  	_ =	shalt  }
0x7d: {  	_ =	shalt  }
0x7e: {  	_ =	shalt  }
0x7f: {  	_ =	shalt  }
0x80: {  	_ =	shalt  }
0x81: {  	_ =	shalt  }
0x82: {  	_ =	shalt  }
0x83: {  	_ =	shalt  }
0x84: {  	_ =	shalt  }
0x85: {  	_ =	shalt  }
0x86: {  	_ =	shalt  }
0x87: {  	_ =	shalt  }
.Lfunc_end0:
.L_simem_size_0:
called_computation_lowered:
.L_overlay_start_0:
0x88: {  	s2 =	sld [smem:$0x3FD9]  }
0x89: {  	s3 =	sld [smem:$0x3FFE];
	_ =	sdelay $0x1  }
0x8a: {  	s1 =	srdreg.scid  }
0x8b: {  	s0 =	sand.u32 $0x1, s1  }
0x8c: {  	s17 =	sshll.u32 s0, $0xA;
	s2 =	sadd.s32 s3, s2  }
0x8d: {  	s2 =	sadd.s32 s2, s17  }
0x8e: {  	[smem:$0x3FC6] =	sst s2  }
0x8f: {  	_ = 	snop  }
0x90: {  	s2 =	sld [smem:$0x3FC9]  }
0x91: {  	s18 =	sld [smem:$0x3FD0];
	(tm) =	ssettm $0x1  }
0x92: {  	s4 =	sld [smem:$0x3FFB];
	_ =	sdelay $0x3  }
0x93: {  	_ =	strace s4  }
0x94: {  	s4 =	sld [smem:$0x3FFC];
	_ =	sdelay $0x3  }
0x95: {  	_ =	strace s4  }
0x96: {  	s4 =	sld [smem:$0x3FFD];
	_ =	sdelay $0x3  }
0x97: {  	_ =	strace s4  }
0x98: {  	_ =	strace $0x8FFFFFFF  }
0x99: {  	s19 =	sld [smem:$0x3FDB];
	_ =	sdelay $0x1  }
0x9a: {  	s5 =	simm.s32 $_scs_section_size  }
0x9b: {  	s6 =	simm.s32 $_size__tile_overlayer_lowered;
	s7 =	simm.s32 $_tile_overlayer_lowered  }
0x9c: {  	s22 =	simm.s32 $0x1BFF;
	s21 =	sshll.u32 s7, $0x1;
	s4 =	sadd.s32 s5, s19  }
0x9d: {  	s8 =	simm.s32 $0x0;
	s20 =	sshll.u32 s6, $0x1;
	s6 =	sadd.s32 s21, s4  }
0x9e: {  	[timem:s8], [sflag:s22] =	dma.local [hbm:s6], s20  }
0x9f: {  	_ =	swait.ge [sflag:s22], s20  }
0xa0: {  	s5 =	ssub.s32 $0x0, s20;
	[sflag:s22] =	ssyncset.done $0x0  }
0xa1: {  	[sflag:s22] =	ssyncadd.s32 s5;
	_ =	sdelay $0x1  }
0xa2: {  	s23 =	simm.s32 $0x1B8B  }
0xa3: {  	_ =	swait.ge [sflag:s23], $0x1  }
0xa4: {  	[sflag:s23] =	ssyncset.done $0x0  }
0xa5: {  	s25 =	simm.s32 $0x1B8E;
	s24 =	sld [smem:$0x3FFE];
	[sflag:s23] =	ssyncadd.s32 $0xFFFFFFFF  }
0xa6: {  	s26 =	simm.s32 $execute0_lowered;
	[smem:$0x3FD2] =	sst s25  }
0xa7: {  	s6 =	sshll.u32 s26, $0x1;
	_ =	strace $0x80000046;
	[dreg:$0x1] =	wrdreg $0xFFFFFFFF  }
0xa8: {  	s28 =	simm.s32 $_size_execute0_lowered;
	s4 =	sadd.s32 s4, s6;
	[dreg:$0x0] =	wrdreg $0x0  }
0xa9: {  	s6 =	sshll.u32 s28, $0x1;
	[dreg:$0x2] =	wrdreg s4  }
0xaa: {  	[dreg:$0x3] =	wrdreg s6  }
0xab: {  	[dreg:$0x4] =	wrdreg $0xC0  }
0xac: {  	_ =	task [dreg:s8], $0x5FFFF  }
0xad: {  	[dreg:$0x1] =	wrdreg $0xFFFFFFFF  }
0xae: {  	[dreg:$0x0] =	wrdreg $0x60  }
0xaf: {  	[dreg:$0x2] =	wrdreg s24  }
0xb0: {  	[dreg:$0x3] =	wrdreg s2  }
0xb1: {  	[dreg:$0x4] =	wrdreg s18  }
0xb2: {  	[dreg:$0x5] =	wrdreg $0x9  }
0xb3: {  	_ =	task.clear_ibuf [dreg:s8], $0x6FFFF;
	_ =	strace $0x90000046  }
0xb4: {  	s29 =	simm.s32 $0x9;
	_ =	strace $0x80000048  }
0xb5: {  	_ =	swait.ge [sflag:s29], $0x1  }
0xb6: {  	[sflag:s29] =	ssyncadd.s32 $0xFFFFFFFF  }
0xb7: {  	_ =	strace $0x90000048  }
0xb8: {  	_ =	sfence  }
0xb9: {  	s30 =	sld [smem:$0x0];
	_ =	sdelay $0x2  }
0xba: {  	s31 =	sshll.u32 s1, $0xD;
	s1 =	sshrl.u32 s1, $0x2  }
0xbb: {  	s3 =	sand.u32 $0x4000, s31;
	s1 =	sadd.s32 s1, s30  }
0xbc: {  	s0 =	sor.u32 s3, s0;
	s1 =	sshll.u32 s1, $0x11  }
0xbd: {  	s0 =	sor.u32 s1, s0  }
0xbe: {  	s0 =	sadd.s32 $0x8F2B, s0  }
0xbf: {  	[sflag:s0] =	ssyncadd.remote.s32 $0x1  }
0xc0: {  	_ =	sfence.sel $0xFFFF  }
0xc1: {  	[dreg:$0x0] =	wrdreg $0xFFFFFFFF;
	(pc) =	sbr.abs _section_cstart, $3  }
0xc2: {  	[dreg:$0x1] =	wrdreg $0xFFFFFFFF  }
0xc3: {  	_ =	task.clear_ibuf [dreg:s8], $0x2FFFF;
	_ =	strace $0x9FFFFFFF  }
0xc4: {  	(tm) =	ssettm $0x7FFFFFFF  }
0xc5: {  	_ =	shalt  }
tec
execute0_lowered:
.L_overlay_start_1:
0x0: {  	(tag) =	ssettag $0x1  }
0x1: {  	s7 =	rddreg [dreg:$0x0]  }
0x2: {  	s1 =	rddreg [dreg:$0x1]  }
0x3: {  	s2 =	rddreg [dreg:$0x2]  }
0x4: {  	s0 =	rddreg [dreg:$0x3];
	s3 =	simm.s32 $0x0  }
0x5: {  	s4 =	srdreg.scid;
	s11 =	simm.s32 $0x80;
	s12 =	simm.s32 $0x100  }
0x6: {  	s13 =	simm.s32 $0x180;
	s14 =	simm.s32 $0x4180;
	s15 =	simm.s32 $0x8180  }
0x7: {  	s16 =	simm.s32 $0x1;
	s17 =	simm.s32 $0xC180;
	s18 =	simm.s32 $0x0  }
0x8: {  	[smem:$0x7FF] =	sst s3;
	s8 =	sand.u32 $0x1, s4;
	s5 =	sadd.s32 $0x4800, s7  }
0x9: {  	s6 =	sadd.s32 $0x2800, s7;
	s4 =	stileid.u32;
	s9 =	ssub.s32 $0x2, s8  }
0xa: {  	s7 =	sadd.s32 $0x800, s7;
	_ =	strace $0x80000047;
	s10 =	sshrl.u32 s9, $0x1  }
0xb: {  	s31 =	sshll.u32 s4, $0xC;
	s8 =	sshll.u32 s8, $0xB;
	s9 =	ssub.s32 s9, s10  }
0xc: {  	s8 =	sor.u32 s8, s31;
	s10 =	simm.s32 $0x2;
	s9 =	smax.u32 s9, $0x1  }
.LBB2_1:
0xd: {  	s19 =	simm.s32 $0x0  }
.LBB2_2:
0xe: {  	s20 =	sshll.u32 s19, $0x7  }
0xf: {  	s20 =	sadd.s32 s8, s20  }
0x10: {  	s21 =	sshrl.u32 s20, $0x3  }
0x11: {  	s23 =	simm.s32 $0x0;
	s22 =	sadd.s32 s5, s21  }
0x12: {  	[tilespmem:s23], [sflag:$0x2] =	stream.linear.gather [hbm4b:s22+s23], $0x80, $0x38;
	[tilespmem:$0x10180] =	vst v63  }
0x13: {  	_ =	swait.ge [sflag:s10], $0x80  }
0x14: {  	[sflag:s10] =	ssyncset.done $0x0  }
0x15: {  	s31 =	sadd.s32 s6, s21;
	[sflag:s10] =	ssyncadd.s32 $0xFFFFFF80  }
0x16: {  	[tilespmem:s11], [sflag:$0x2] =	stream.linear.gather [hbm4b:s31+s23], $0x80, $0x38;
	[tilespmem:$0x10180] =	vst v63  }
0x17: {  	_ =	swait.ge [sflag:s10], $0x80  }
0x18: {  	[sflag:s10] =	ssyncset.done $0x0  }
0x19: {  	s21 =	sadd.s32 s7, s21;
	[sflag:s10] =	ssyncadd.s32 $0xFFFFFF80  }
0x1a: {  	[tilespmem:s12], [sflag:$0x2] =	stream.linear.gather [hbm4b:s21+s23], $0x80, $0x38;
	[tilespmem:$0x10180] =	vst v63  }
0x1b: {  	_ =	swait.ge [sflag:s10], $0x80  }
0x1c: {  	[sflag:s10] =	ssyncset.done $0x0  }
0x1d: {  	[sflag:s10] =	ssyncadd.s32 $0xFFFFFF80  }
0x1e: {  	[tilespmem:s13], [sflag:$0x1] =	stream.indirect.gather [hbm4b:s1+s11], $0x80, s23, s11, $0xb8;
	[tilespmem:$0x10180] =	vst v63  }
0x1f: {  	_ = 	snop  }
0x20: {  	[tilespmem:s14], [sflag:$0x1] =	stream.indirect.gather [hbm4b:s1+s11], $0x80, s11, s11, $0xb8;
	[tilespmem:$0x10180] =	vst v63  }
0x21: {  	_ = 	snop  }
0x22: {  	[tilespmem:s15], [sflag:$0x1] =	stream.indirect.gather [hbm4b:s1+s11], $0x80, s12, s11, $0xb8;
	[tilespmem:$0x10180] =	vst v63  }
0x23: {  	_ =	swait.ge [sflag:s16], $0x4000  }
0x24: {  	[sflag:s16] =	ssyncset.done $0x0  }
0x25: {  	[sflag:s16] =	ssyncadd.s32 $0xFFFFC000  }
0x26: {  	_ =	swait.ge [sflag:s16], $0x4000  }
0x27: {  	[sflag:s16] =	ssyncset.done $0x0  }
0x28: {  	[sflag:s16] =	ssyncadd.s32 $0xFFFFC000  }
0x29: {  	_ =	swait.ge [sflag:s16], $0x4000  }
0x2a: {  	[sflag:s16] =	ssyncset.done $0x0  }
0x2b: {  	s21 =	simm.s32 $0x0;
	[sflag:s16] =	ssyncadd.s32 $0xFFFFC000  }
0x2c: {  	v0 =	vld [tilespmem:s21+$0x1F0]  }
0x2d: {  	v1 =	vld [tilespmem:s21+$0x41F0]  }
0x2e: {  	v2 =	vld [tilespmem:s21+$0x180]  }
0x2f: {  	v3 =	vld [tilespmem:s21+$0x81F0]  }
0x30: {  	v4 =	vld [tilespmem:s21+$0x4180]  }
0x31: {  	v5 =	vld [tilespmem:s21+$0x190]  }
0x32: {  	v6 =	vld [tilespmem:s21+$0x4190]  }
0x33: {  	v7 =	vld [tilespmem:s21+$0x41A0]  }
0x34: {  	v9 =	vld [tilespmem:s21+$0x41B0]  }
0x35: {  	v10 =	vld [tilespmem:s21+$0x1C0]  }
0x36: {  	v11 =	vld [tilespmem:s21+$0x41C0]  }
0x37: {  	v12 =	vld [tilespmem:s21+$0x1D0]  }
0x38: {  	v13 =	vld [tilespmem:s21+$0x41D0]  }
0x39: {  	v14 =	vld [tilespmem:s21+$0x1E0]  }
0x3a: {  	v15 =	vld [tilespmem:s21+$0x41E0]  }
0x3b: {  	v16 =	vld [tilespmem:s21+$0x8180]  }
0x3c: {  	v0 =	vadd.f32 v1, v0;
	v1 =	vld [tilespmem:s21+$0x1A0]  }
0x3d: {  	v17 =	vld [tilespmem:s21+$0x8190]  }
0x3e: {  	v0 =	vadd.f32 v3, v0;
	v3 =	vld [tilespmem:s21+$0x1B0]  }
0x3f: {  	v18 =	vld [tilespmem:s21+$0x81A0]  }
0x40: {  	v8 =	vld [tilespmem:s21+$0x81B0];
	v2 =	vadd.f32 v4, v2;
	v19 =	vadd.f32 v6, v5  }
0x41: {  	v5 =	vld [tilespmem:s21+$0x81C0];
	v4 =	vadd.f32 v13, v12;
	v20 =	vadd.f32 v7, v1  }
0x42: {  	v6 =	vld [tilespmem:s21+$0x81D0];
	v1 =	vadd.f32 v11, v10;
	v10 =	vadd.f32 v16, v2  }
0x43: {  	s22 =	simm.s32 $0x80;
	[tilespmem:s21+$0xC1F0] =	vst v0;
	v7 =	vld [tilespmem:s21+$0x81E0];
	v0 =	vadd.f32 v9, v3;
	v9 =	vadd.f32 v17, v19  }
0x44: {  	s23 =	simm.s32 $0x400;
	v2 =	vadd.f32 v15, v14;
	v3 =	vld [tilespmem:s22+$0x1F0];
	[tilespmem:s21+$0xC180] =	vst v10;
	v10 =	vadd.f32 v18, v20  }
.LBB2_3:
0x45: {  	p0 =	sne.s32 s23, $0xFE00;
	v11 =	vld [tilespmem:s22+$0x41F0];
	[tilespmem:s21+$0xC190] =	vst v9;
	v0 =	vadd.f32 v8, v0  }
0x46: {  	v8 =	vld [tilespmem:s22+$0x180];
	[tilespmem:s21+$0xC1A0] =	vst v10;
	v1 =	vadd.f32 v5, v1  }
0x47: {  	v5 =	vld [tilespmem:s22+$0x81F0];
	[tilespmem:s21+$0xC1B0] =	vst v0;
	v0 =	vadd.f32 v6, v4  }
0x48: {  	v4 =	vld [tilespmem:s22+$0x4180];
	[tilespmem:s21+$0xC1C0] =	vst v1;
	v1 =	vadd.f32 v7, v2  }
0x49: {  	v2 =	vld [tilespmem:s22+$0x190];
	[tilespmem:s21+$0xC1D0] =	vst v0  }
0x4a: {  	v0 =	vld [tilespmem:s22+$0x4190];
	v3 =	vadd.f32 v11, v3;
	[tilespmem:s21+$0xC1E0] =	vst v1;
	s21 =	smov.u32 s22  }
0x4b: {  	v1 =	vld [tilespmem:s21+$0x1A0]  }
0x4c: {  	v6 =	vld [tilespmem:s21+$0x41A0];
	v3 =	vadd.f32 v5, v3  }
0x4d: {  	v7 =	vadd.f32 v4, v8;
	v4 =	vld [tilespmem:s21+$0x1B0]  }
0x4e: {  	v5 =	vld [tilespmem:s21+$0x41B0];
	[tilespmem:s21+$0xC1F0] =	vst v3  }
0x4f: {  	v3 =	vadd.f32 v0, v2;
	v2 =	vld [tilespmem:s21+$0x1C0]  }
0x50: {  	v8 =	vld [tilespmem:s21+$0x41C0]  }
0x51: {  	v10 =	vadd.f32 v6, v1;
	v6 =	vld [tilespmem:s21+$0x1D0]  }
0x52: {  	v9 =	vld [tilespmem:s21+$0x41D0]  }
0x53: {  	v0 =	vadd.f32 v5, v4;
	v11 =	vld [tilespmem:s21+$0x1E0]  }
0x54: {  	v12 =	vld [tilespmem:s21+$0x41E0]  }
0x55: {  	v13 =	vld [tilespmem:s21+$0x8180];
	v1 =	vadd.f32 v8, v2  }
0x56: {  	v14 =	vld [tilespmem:s21+$0x8190]  }
0x57: {  	v15 =	vld [tilespmem:s21+$0x81A0];
	v4 =	vadd.f32 v9, v6  }
.Ltmp0:
0x58: {  	v8 =	vld [tilespmem:s21+$0x81B0];
	(pc) =	sbr.rel @p0 .LBB2_3-.Ltmp0, $4  }
0x59: {  	v5 =	vld [tilespmem:s21+$0x81C0];
	v2 =	vadd.f32 v12, v11  }
0x5a: {  	v11 =	vadd.f32 v13, v7;
	v6 =	vld [tilespmem:s21+$0x81D0]  }
0x5b: {  	s22 =	sshra.s32 s23, $0x2;
	v9 =	vadd.f32 v14, v3;
	v7 =	vld [tilespmem:s21+$0x81E0]  }
0x5c: {  	s23 =	sadd.s32 $0x200, s23;
	v3 =	vld [tilespmem:s22+$0x1F0];
	[tilespmem:s21+$0xC180] =	vst v11;
	v10 =	vadd.f32 v15, v10  }
0x5d: {  	v11 =	vld [tilespmem:s22+$0x41F0];
	[tilespmem:s21+$0xC190] =	vst v9;
	v0 =	vadd.f32 v8, v0  }
0x5e: {  	v9 =	vld [tilespmem:s22+$0x180];
	[tilespmem:s21+$0xC1A0] =	vst v10;
	v1 =	vadd.f32 v5, v1  }
0x5f: {  	v44 =	vld [tilespmem:s22+$0x81F0];
	[tilespmem:s21+$0xC1B0] =	vst v0;
	v4 =	vadd.f32 v6, v4  }
0x60: {  	v0 =	vld [tilespmem:s22+$0x4180];
	[tilespmem:s21+$0xC1C0] =	vst v1;
	v2 =	vadd.f32 v7, v2  }
0x61: {  	v1 =	vld [tilespmem:s22+$0x190];
	[tilespmem:s21+$0xC1D0] =	vst v4  }
0x62: {  	v4 =	vld [tilespmem:s22+$0x4190];
	[tilespmem:s21+$0xC1E0] =	vst v2  }
0x63: {  	v46 =	vld [tilespmem:s22+$0x1A0]  }
0x64: {  	v47 =	vld [tilespmem:s22+$0x41A0]  }
0x65: {  	v48 =	vld [tilespmem:s22+$0x1B0]  }
0x66: {  	v49 =	vld [tilespmem:s22+$0x41B0]  }
0x67: {  	v50 =	vld [tilespmem:s22+$0x1C0]  }
0x68: {  	v51 =	vld [tilespmem:s22+$0x41C0]  }
0x69: {  	v10 =	vld [tilespmem:s22+$0x1D0]  }
0x6a: {  	v52 =	vld [tilespmem:s22+$0x41D0]  }
0x6b: {  	v12 =	vld [tilespmem:s22+$0x1E0]  }
0x6c: {  	v13 =	vld [tilespmem:s22+$0x41E0]  }
0x6d: {  	v14 =	vld [tilespmem:s22+$0x8180]  }
0x6e: {  	v15 =	vld [tilespmem:s22+$0x8190]  }
0x6f: {  	v45 =	vadd.f32 v11, v3;
	v16 =	vld [tilespmem:s22+$0x81A0]  }
0x70: {  	v53 =	vld [tilespmem:s22+$0x81B0];
	v0 =	vadd.f32 v0, v9  }
0x71: {  	v54 =	vld [tilespmem:s22+$0x81C0];
	v2 =	vadd.f32 v44, v45;
	v1 =	vadd.f32 v4, v1  }
0x72: {  	v55 =	vld [tilespmem:s22+$0x81D0];
	v3 =	vadd.f32 v47, v46;
	v0 =	vadd.f32 v14, v0  }
0x73: {  	v56 =	vld [tilespmem:s22+$0x81E0];
	[tilespmem:s22+$0xC1F0] =	vst v2;
	v6 =	vadd.f32 v49, v48;
	v1 =	vadd.f32 v15, v1  }
0x74: {  	v2 =	vadd.f32 v51, v50;
	[tilespmem:s22+$0xC180] =	vst v0;
	v57 =	vadd.f32 v16, v3  }
0x75: {  	v58 =	vadd.f32 v52, v10;
	v59 =	vadd.f32 v53, v6;
	[tilespmem:s22+$0xC190] =	vst v1  }
0x76: {  	v60 =	vadd.f32 v13, v12;
	v61 =	vadd.f32 v54, v2;
	[tilespmem:s22+$0xC1A0] =	vst v57  }
0x77: {  	v62 =	vadd.f32 v55, v58;
	[tilespmem:s22+$0xC1B0] =	vst v59  }
0x78: {  	s19 =	sadd.s32 $0x1, s19;
	v63 =	vadd.f32 v56, v60;
	[tilespmem:s22+$0xC1C0] =	vst v61  }
0x79: {  	s20 =	sshll.u32 s20, $0x4;
	p0 =	sne.s32 s19, $0x10;
	[tilespmem:s22+$0xC1D0] =	vst v62  }
.Ltmp1:
0x7a: {  	s20 =	sadd.s32 s2, s20;
	[tilespmem:s22+$0xC1E0] =	vst v63;
	(pc) =	sbr.rel @p0 .LBB2_2-.Ltmp1, $4  }
0x7b: {  	[hbm4b:s20+s3] =	stream.linear.scatter [tilespmem:s17], [sflag:$0x2], $0x4000, $0x38;
	[tilespmem:$0x10180] =	vst v63  }
0x7c: {  	_ =	swait.ge [sflag:s10], $0x4000  }
0x7d: {  	[sflag:s10] =	ssyncset.done $0x0  }
0x7e: {  	[sflag:s10] =	ssyncadd.s32 $0xFFFFC000  }
0x7f: {  	s18 =	sadd.s32 $0x1, s18  }
0x80: {  	p0 =	sne.s32 s18, s9  }
.Ltmp2:
0x81: {  	_ = 	snop;
	(pc) =	sbr.rel @p0 .LBB2_1-.Ltmp2, $1  }
0x82: {  	_ =	sdelay $0x3  }
0x83: {  	_ =	sfence.sel $0x180000  }
0x84: {  	[bflag:$0x0] =	sbarrier.arrive $0xFFFF  }
0x85: {  	p0 =	sne.s32 s4, $0x0;
	_ =	strace $0x90000047  }
0x86: {  	s0 =	sadd.s32 @!p0 $0x100000, s0;
	[bflag:$0x2] =	sbarrier.arrive $0xFFFF  }
0x87: {  	[sflag:s0] =	ssyncadd.tile.s32 @!p0 $0x1;
	_ =	shalt  }
.Lfunc_end2:
_tile_overlayer_lowered:
.L_overlay_start_2:
0x88: {  	(tag) =	ssettag $0x2  }
0x89: {  	s0 =	rddreg [dreg:$0x0];
	s2 =	stileid.u32  }
0x8a: {  	s1 =	rddreg [dreg:$0x1];
	p0 =	sne.s32 s2, $0x0  }
0x8b: {  	s3 =	rddreg [dreg:$0x2];
	[bflag:$0x3] =	sbarrier.arrive $0xFFFF;
	s2 =	simm.s32 @!p0 $0x1C02  }
0x8c: {  	[timem:s3], [sflag:s2] =	dma.local @!p0 [hbm:s0], s1  }
0x8d: {  	s0 =	simm.s32 @!p0 $0x2  }
0x8e: {  	_ =	swait.ge @!p0 [sflag:s0], s1  }
0x8f: {  	s1 =	ssub.s32 @!p0 $0x0, s1;
	[sflag:s0] =	ssyncset.done @!p0 $0x0  }
0x90: {  	[sflag:s0] =	ssyncadd.s32 @!p0 s1  }
0x91: {  	[bflag:$0x3] =	sbarrier.arrive $0xFFFF  }
0x92: {  	_ =	shalt  }

</sc_bundles>
